<compile_context>
chip_gen: v7x
topology: tpu7x:2x2x1
jax: 0.10.2.dev20260603
libtpu: 0.0.44.dev20260713+nightly
codegen_flags: <defaults>
</compile_context>

<pallas_src>
import functools

import jax
import jax.numpy as jnp
from jax import lax
from jax.experimental import pallas as pl
from jax.experimental.pallas import tpu as pltpu
from jax.experimental.pallas import tpu_sc as plsc

B = 16384
F_DENSE = 64
VOCAB_S = 100
VOCAB_T = 968
DIM = 32
NC = 2
NS = 16
NW = NC * NS
ROWS_PER_W = B // NW
GROUPS = ROWS_PER_W // 16


@functools.partial(
    pl.kernel,
    out_type=(jax.ShapeDtypeStruct((B, DIM), jnp.float32),
              jax.ShapeDtypeStruct((B, DIM), jnp.float32)),
    mesh=plsc.VectorSubcoreMesh(core_axis_name="c", subcore_axis_name="s"),
    compiler_params=pltpu.CompilerParams(use_tc_tiling_on_sc=False),
    scratch_types=[
        pltpu.VMEM((ROWS_PER_W,), jnp.float32),
        pltpu.VMEM((ROWS_PER_W,), jnp.int32),
        pltpu.VMEM((ROWS_PER_W,), jnp.int32),
        pltpu.VMEM((ROWS_PER_W, DIM), jnp.float32),
        pltpu.VMEM((ROWS_PER_W, DIM), jnp.float32),
        pltpu.VMEM_SHARED((VOCAB_S + VOCAB_T, DIM), jnp.float32),
        pltpu.SemaphoreType.DMA,
    ],
)
def _sc_embed(pid_hbm, w_s_hbm, w_t_hbm, out_s_hbm, out_t_hbm,
              pid_v, idx_s_v, idx_t_v, emb_s_v, emb_t_v, tbl_sh, sem):
    sub = lax.axis_index("s")
    wid = sub * NC + lax.axis_index("c")
    base = wid * ROWS_PER_W
    rows = pl.ds(base, ROWS_PER_W)

    ids = pltpu.async_copy(pid_hbm.at[rows], pid_v, sem)

    @pl.when(sub == 0)
    def _stage_tables():
        pltpu.sync_copy(w_s_hbm, tbl_sh.at[pl.ds(0, VOCAB_S)])
        pltpu.sync_copy(w_t_hbm, tbl_sh.at[pl.ds(VOCAB_S, VOCAB_T)])

    ids.wait()

    def _convert(g, carry):
        sl = pl.ds(g * 16, 16)
        v = pid_v[sl].astype(jnp.int32)
        idx_s_v[sl] = v >> 10
        idx_t_v[sl] = (v & 1023) + VOCAB_S
        return carry

    lax.fori_loop(0, GROUPS, _convert, 0, unroll=4)

    plsc.subcore_barrier()

    g_s = pltpu.async_copy(tbl_sh.at[idx_s_v], emb_s_v, sem)
    g_t = pltpu.async_copy(tbl_sh.at[idx_t_v], emb_t_v, sem)
    g_s.wait()
    g_t.wait()

    out_s = pltpu.async_copy(emb_s_v, out_s_hbm.at[rows], sem)
    out_t = pltpu.async_copy(emb_t_v, out_t_hbm.at[rows], sem)
    out_s.wait()
    out_t.wait()


def kernel(x, W_s, W_t):
    packed = x[:, F_DENSE] * 1024.0 + x[:, F_DENSE + 1]
    emb_s, emb_t = _sc_embed(packed, W_s, W_t)
    return jnp.concatenate((x[:, :F_DENSE], emb_s, emb_t), axis=1)

# --- scband reference (transcript-rebuilt; emitter-appended) ---
"""Pipeline reference for scband-symbol-and-time-embedding-3040836845831 (READ-ONLY COPY).

The authoritative reference and input builder live on the scoring server;
editing this copy changes nothing except your own understanding.
"""

import jax, jax.numpy as jnp
import numpy as np

B = 16384
F = 66  # 64 dense features + symbol_id + time_id
VOCAB_S = 100
VOCAB_T = 968
DIM_S = 32
DIM_T = 32


def setup_inputs(seed: int = 0) -> dict:
    key = jax.random.key(seed)
    k1, k2, k3, k4, k5 = jax.random.split(key, 5)
    dense = jax.random.normal(k1, (B, F - 2), dtype=jnp.float32)
    symbol_id = jax.random.randint(k2, (B, 1), 0, VOCAB_S).astype(jnp.float32)
    time_id = jax.random.randint(k3, (B, 1), 0, VOCAB_T).astype(jnp.float32)
    x = jnp.concatenate([dense, symbol_id, time_id], axis=1)
    W_s = jax.random.normal(k4, (VOCAB_S, DIM_S), dtype=jnp.float32)
    W_t = jax.random.normal(k5, (VOCAB_T, DIM_T), dtype=jnp.float32)
    return {"x": x, "W_s": W_s, "W_t": W_t}


def reference(x, W_s, W_t):
    symbol_id = x[:, -2].astype(jnp.int32)
    time_id = x[:, -1].astype(jnp.int32)
    emb_symbol = jnp.take(W_s, symbol_id, axis=0)
    emb_time = jnp.take(W_t, time_id, axis=0)
    out = jnp.concatenate((x[:, :-2], emb_symbol, emb_time), axis=1)
    return out

if __name__ == "__main__":
    import jax
    _d = setup_inputs()
    print(jax.jit(kernel)(*tuple(_d.values())))

</pallas_src>

<mosaic_0001>
#map = affine_map<(d0, d1) -> (0)>
#map1 = affine_map<(d0, d1) -> (0, 0)>
module attributes {stable_mosaic.version = 14 : i64} {
  func.func @_sc_embed(%arg0: i32, %arg1: i32, %arg2: memref<16384xf32, #tpu.memory_space<hbm>>, %arg3: memref<100x32xf32, #tpu.memory_space<hbm>>, %arg4: memref<968x32xf32, #tpu.memory_space<hbm>>, %arg5: memref<16384x32xf32, #tpu.memory_space<hbm>>, %arg6: memref<16384x32xf32, #tpu.memory_space<hbm>>, %arg7: memref<512xf32, #tpu.memory_space<vmem>>, %arg8: memref<512xi32, #tpu.memory_space<vmem>>, %arg9: memref<512xi32, #tpu.memory_space<vmem>>, %arg10: memref<512x32xf32, #tpu.memory_space<vmem>>, %arg11: memref<512x32xf32, #tpu.memory_space<vmem>>, %arg12: memref<1068x32xf32, #tpu.memory_space<vmem_shared>>, %arg13: memref<!tpu.dma_semaphore, #tpu.memory_space<semaphore_mem>>) attributes {dimension_semantics = [#tpu.dimension_semantics<core_parallel>, #tpu.dimension_semantics<subcore_parallel>], iteration_bounds = array<i64: 2, 16>, scalar_prefetch = 0 : i64, scratch_operands = 7 : i64, tpu.core_type = #tpu.core_type<sc_vector_subcore>, window_params = [{transform_indices = #map}, {transform_indices = #map1}, {transform_indices = #map1}, {transform_indices = #map1}, {transform_indices = #map1}]} {
    %mul3A = arith.constant 2 : i32
    %mul3A_0 = arith.muli %arg1, %mul3A : i32
    %add3A = arith.addi %mul3A_0, %arg0 : i32
    %mul3A_1 = arith.constant 512 : i32
    %mul3A_2 = arith.muli %add3A, %mul3A_1 : i32
    %dma_start3A = tpu.memref_slice %arg2[%mul3A_2] : memref<16384xf32, #tpu.memory_space<hbm>> -> memref<512xf32, #tpu.memory_space<hbm>>
    %dma_start3A_3 = tpu.memref_slice %arg2[%mul3A_2] : memref<16384xf32, #tpu.memory_space<hbm>> -> memref<512xf32, #tpu.memory_space<hbm>>
    tpu.enqueue_dma source(%dma_start3A_3 : memref<512xf32, #tpu.memory_space<hbm>>) target(%arg7 : memref<512xf32, #tpu.memory_space<vmem>>) target_semaphore(%arg13 : memref<!tpu.dma_semaphore, #tpu.memory_space<semaphore_mem>>)
    %eq3A = arith.constant 0 : i32
    %eq3A_4 = arith.cmpi eq, %arg1, %eq3A : i32
    %convert_element_type3A = arith.extui %eq3A_4 : i1 to i32
    %cond3A = arith.constant 0 : i32
    %cond3A_5 = arith.cmpi ne, %convert_element_type3A, %cond3A : i32
    scf.if %cond3A_5 {
      "tpu.region"() ({
        %run_scoped3A = tpu.sem_alloc : memref<!tpu.dma_semaphore, #tpu.memory_space<semaphore_mem>>
        %dma_start3A_40 = arith.constant 0 : i32
        %dma_start3A_41 = arith.constant 0 : i32
        %dma_start3A_42 = tpu.memref_slice %arg12[%dma_start3A_40, %dma_start3A_41] : memref<1068x32xf32, #tpu.memory_space<vmem_shared>> -> memref<100x32xf32, #tpu.memory_space<vmem_shared>>
        tpu.enqueue_dma source(%arg3 : memref<100x32xf32, #tpu.memory_space<hbm>>) target(%dma_start3A_42 : memref<100x32xf32, #tpu.memory_space<vmem_shared>>) target_semaphore(%run_scoped3A : memref<!tpu.dma_semaphore, #tpu.memory_space<semaphore_mem>>)
        %dma_wait3A_43 = arith.constant 0 : i32
        %dma_wait3A_44 = arith.constant 0 : i32
        %dma_wait3A_45 = tpu.memref_slice %arg12[%dma_wait3A_43, %dma_wait3A_44] : memref<1068x32xf32, #tpu.memory_space<vmem_shared>> -> memref<100x32xf32, #tpu.memory_space<vmem_shared>>
        tpu.wait_dma2 semaphore(%run_scoped3A : memref<!tpu.dma_semaphore, #tpu.memory_space<semaphore_mem>>) src(%arg3 : memref<100x32xf32, #tpu.memory_space<hbm>>) dst(%dma_wait3A_45 : memref<100x32xf32, #tpu.memory_space<vmem_shared>>)
        tpu.yield
      }) : () -> ()
      "tpu.region"() ({
        %run_scoped3A = tpu.sem_alloc : memref<!tpu.dma_semaphore, #tpu.memory_space<semaphore_mem>>
        %dma_start3A_40 = arith.constant 100 : i32
        %dma_start3A_41 = arith.constant 0 : i32
        %dma_start3A_42 = tpu.memref_slice %arg12[%dma_start3A_40, %dma_start3A_41] : memref<1068x32xf32, #tpu.memory_space<vmem_shared>> -> memref<968x32xf32, #tpu.memory_space<vmem_shared>>
        tpu.enqueue_dma source(%arg4 : memref<968x32xf32, #tpu.memory_space<hbm>>) target(%dma_start3A_42 : memref<968x32xf32, #tpu.memory_space<vmem_shared>>) target_semaphore(%run_scoped3A : memref<!tpu.dma_semaphore, #tpu.memory_space<semaphore_mem>>)
        %dma_wait3A_43 = arith.constant 100 : i32
        %dma_wait3A_44 = arith.constant 0 : i32
        %dma_wait3A_45 = tpu.memref_slice %arg12[%dma_wait3A_43, %dma_wait3A_44] : memref<1068x32xf32, #tpu.memory_space<vmem_shared>> -> memref<968x32xf32, #tpu.memory_space<vmem_shared>>
        tpu.wait_dma2 semaphore(%run_scoped3A : memref<!tpu.dma_semaphore, #tpu.memory_space<semaphore_mem>>) src(%arg4 : memref<968x32xf32, #tpu.memory_space<hbm>>) dst(%dma_wait3A_45 : memref<968x32xf32, #tpu.memory_space<vmem_shared>>)
        tpu.yield
      }) : () -> ()
    } else {
    }
    %dma_wait3A = tpu.memref_slice %arg2[%mul3A_2] : memref<16384xf32, #tpu.memory_space<hbm>> -> memref<512xf32, #tpu.memory_space<hbm>>
    %dma_wait3A_6 = tpu.memref_slice %arg2[%mul3A_2] : memref<16384xf32, #tpu.memory_space<hbm>> -> memref<512xf32, #tpu.memory_space<hbm>>
    tpu.wait_dma2 semaphore(%arg13 : memref<!tpu.dma_semaphore, #tpu.memory_space<semaphore_mem>>) src(%dma_wait3A_6 : memref<512xf32, #tpu.memory_space<hbm>>) dst(%arg7 : memref<512xf32, #tpu.memory_space<vmem>>)
    %scan3A = arith.constant 0 : i32
    %scan3A_7 = arith.constant 0 : i32
    %scan3A_8 = arith.constant 32 : i32
    %scan3A_9 = arith.addi %scan3A_7, %scan3A_8 : i32
    %scan3A_10 = arith.constant 4 : i32
    scf.for %scan3A_40 = %scan3A_7 to %scan3A_9 step %scan3A_10  : i32 {
      %mul3A_41 = arith.constant 16 : i32
      %mul3A_42 = arith.muli %scan3A_40, %mul3A_41 : i32
      %get3A = arith.index_cast %mul3A_42 : i32 to index
      %get3A_43 = tpu.vector_load %arg7[%get3A] {strides = array<i32>} : memref<512xf32, #tpu.memory_space<vmem>>, vector<16xf32>,
      %get3A_44 = vector.shape_cast %get3A_43 : vector<16xf32> to vector<16xf32>
      %convert_element_type3A_45 = arith.fptosi %get3A_44 : vector<16xf32> to vector<16xi32>
      %shift_right_arithmetic3A = arith.constant 10 : i32
      %shift_right_arithmetic3A_46 = vector.broadcast %shift_right_arithmetic3A : i32 to vector<16xi32>
      %shift_right_arithmetic3A_47 = arith.shrsi %convert_element_type3A_45, %shift_right_arithmetic3A_46 : vector<16xi32>
      %swap3A = arith.index_cast %mul3A_42 : i32 to index
      %swap3A_48 = tpu.vector_load %arg8[%swap3A] {strides = array<i32>} : memref<512xi32, #tpu.memory_space<vmem>>, vector<16xi32>,
      %swap3A_49 = vector.shape_cast %swap3A_48 : vector<16xi32> to vector<16xi32>
      %swap3A_50 = vector.shape_cast %shift_right_arithmetic3A_47 : vector<16xi32> to vector<16xi32>
      tpu.vector_store %arg8[%swap3A], %swap3A_50 {strides = array<i32>} : memref<512xi32, #tpu.memory_space<vmem>>, vector<16xi32>,
      %and3A = arith.constant 1023 : i32
      %and3A_51 = vector.broadcast %and3A : i32 to vector<16xi32>
      %and3A_52 = arith.andi %convert_element_type3A_45, %and3A_51 : vector<16xi32>
      %add3A_53 = arith.constant 100 : i32
      %add3A_54 = vector.broadcast %add3A_53 : i32 to vector<16xi32>
      %add3A_55 = arith.addi %and3A_52, %add3A_54 : vector<16xi32>
      %swap3A_56 = arith.index_cast %mul3A_42 : i32 to index
      %swap3A_57 = tpu.vector_load %arg9[%swap3A_56] {strides = array<i32>} : memref<512xi32, #tpu.memory_space<vmem>>, vector<16xi32>,
      %swap3A_58 = vector.shape_cast %swap3A_57 : vector<16xi32> to vector<16xi32>
      %swap3A_59 = vector.shape_cast %add3A_55 : vector<16xi32> to vector<16xi32>
      tpu.vector_store %arg9[%swap3A_56], %swap3A_59 {strides = array<i32>} : memref<512xi32, #tpu.memory_space<vmem>>, vector<16xi32>,
      %scan3A_60 = arith.constant 1 : i32
      %scan3A_61 = arith.addi %scan3A_40, %scan3A_60 : i32
      %mul3A_62 = arith.constant 16 : i32
      %mul3A_63 = arith.muli %scan3A_61, %mul3A_62 : i32
      %get3A_64 = arith.index_cast %mul3A_63 : i32 to index
      %get3A_65 = tpu.vector_load %arg7[%get3A_64] {strides = array<i32>} : memref<512xf32, #tpu.memory_space<vmem>>, vector<16xf32>,
      %get3A_66 = vector.shape_cast %get3A_65 : vector<16xf32> to vector<16xf32>
      %convert_element_type3A_67 = arith.fptosi %get3A_66 : vector<16xf32> to vector<16xi32>
      %shift_right_arithmetic3A_68 = arith.constant 10 : i32
      %shift_right_arithmetic3A_69 = vector.broadcast %shift_right_arithmetic3A_68 : i32 to vector<16xi32>
      %shift_right_arithmetic3A_70 = arith.shrsi %convert_element_type3A_67, %shift_right_arithmetic3A_69 : vector<16xi32>
      %swap3A_71 = arith.index_cast %mul3A_63 : i32 to index
      %swap3A_72 = tpu.vector_load %arg8[%swap3A_71] {strides = array<i32>} : memref<512xi32, #tpu.memory_space<vmem>>, vector<16xi32>,
      %swap3A_73 = vector.shape_cast %swap3A_72 : vector<16xi32> to vector<16xi32>
      %swap3A_74 = vector.shape_cast %shift_right_arithmetic3A_70 : vector<16xi32> to vector<16xi32>
      tpu.vector_store %arg8[%swap3A_71], %swap3A_74 {strides = array<i32>} : memref<512xi32, #tpu.memory_space<vmem>>, vector<16xi32>,
      %and3A_75 = arith.constant 1023 : i32
      %and3A_76 = vector.broadcast %and3A_75 : i32 to vector<16xi32>
      %and3A_77 = arith.andi %convert_element_type3A_67, %and3A_76 : vector<16xi32>
      %add3A_78 = arith.constant 100 : i32
      %add3A_79 = vector.broadcast %add3A_78 : i32 to vector<16xi32>
      %add3A_80 = arith.addi %and3A_77, %add3A_79 : vector<16xi32>
      %swap3A_81 = arith.index_cast %mul3A_63 : i32 to index
      %swap3A_82 = tpu.vector_load %arg9[%swap3A_81] {strides = array<i32>} : memref<512xi32, #tpu.memory_space<vmem>>, vector<16xi32>,
      %swap3A_83 = vector.shape_cast %swap3A_82 : vector<16xi32> to vector<16xi32>
      %swap3A_84 = vector.shape_cast %add3A_80 : vector<16xi32> to vector<16xi32>
      tpu.vector_store %arg9[%swap3A_81], %swap3A_84 {strides = array<i32>} : memref<512xi32, #tpu.memory_space<vmem>>, vector<16xi32>,
      %scan3A_85 = arith.constant 2 : i32
      %scan3A_86 = arith.addi %scan3A_40, %scan3A_85 : i32
      %mul3A_87 = arith.constant 16 : i32
      %mul3A_88 = arith.muli %scan3A_86, %mul3A_87 : i32
      %get3A_89 = arith.index_cast %mul3A_88 : i32 to index
      %get3A_90 = tpu.vector_load %arg7[%get3A_89] {strides = array<i32>} : memref<512xf32, #tpu.memory_space<vmem>>, vector<16xf32>,
      %get3A_91 = vector.shape_cast %get3A_90 : vector<16xf32> to vector<16xf32>
      %convert_element_type3A_92 = arith.fptosi %get3A_91 : vector<16xf32> to vector<16xi32>
      %shift_right_arithmetic3A_93 = arith.constant 10 : i32
      %shift_right_arithmetic3A_94 = vector.broadcast %shift_right_arithmetic3A_93 : i32 to vector<16xi32>
      %shift_right_arithmetic3A_95 = arith.shrsi %convert_element_type3A_92, %shift_right_arithmetic3A_94 : vector<16xi32>
      %swap3A_96 = arith.index_cast %mul3A_88 : i32 to index
      %swap3A_97 = tpu.vector_load %arg8[%swap3A_96] {strides = array<i32>} : memref<512xi32, #tpu.memory_space<vmem>>, vector<16xi32>,
      %swap3A_98 = vector.shape_cast %swap3A_97 : vector<16xi32> to vector<16xi32>
      %swap3A_99 = vector.shape_cast %shift_right_arithmetic3A_95 : vector<16xi32> to vector<16xi32>
      tpu.vector_store %arg8[%swap3A_96], %swap3A_99 {strides = array<i32>} : memref<512xi32, #tpu.memory_space<vmem>>, vector<16xi32>,
      %and3A_100 = arith.constant 1023 : i32
      %and3A_101 = vector.broadcast %and3A_100 : i32 to vector<16xi32>
      %and3A_102 = arith.andi %convert_element_type3A_92, %and3A_101 : vector<16xi32>
      %add3A_103 = arith.constant 100 : i32
      %add3A_104 = vector.broadcast %add3A_103 : i32 to vector<16xi32>
      %add3A_105 = arith.addi %and3A_102, %add3A_104 : vector<16xi32>
      %swap3A_106 = arith.index_cast %mul3A_88 : i32 to index
      %swap3A_107 = tpu.vector_load %arg9[%swap3A_106] {strides = array<i32>} : memref<512xi32, #tpu.memory_space<vmem>>, vector<16xi32>,
      %swap3A_108 = vector.shape_cast %swap3A_107 : vector<16xi32> to vector<16xi32>
      %swap3A_109 = vector.shape_cast %add3A_105 : vector<16xi32> to vector<16xi32>
      tpu.vector_store %arg9[%swap3A_106], %swap3A_109 {strides = array<i32>} : memref<512xi32, #tpu.memory_space<vmem>>, vector<16xi32>,
      %scan3A_110 = arith.constant 3 : i32
      %scan3A_111 = arith.addi %scan3A_40, %scan3A_110 : i32
      %mul3A_112 = arith.constant 16 : i32
      %mul3A_113 = arith.muli %scan3A_111, %mul3A_112 : i32
      %get3A_114 = arith.index_cast %mul3A_113 : i32 to index
      %get3A_115 = tpu.vector_load %arg7[%get3A_114] {strides = array<i32>} : memref<512xf32, #tpu.memory_space<vmem>>, vector<16xf32>,
      %get3A_116 = vector.shape_cast %get3A_115 : vector<16xf32> to vector<16xf32>
      %convert_element_type3A_117 = arith.fptosi %get3A_116 : vector<16xf32> to vector<16xi32>
      %shift_right_arithmetic3A_118 = arith.constant 10 : i32
      %shift_right_arithmetic3A_119 = vector.broadcast %shift_right_arithmetic3A_118 : i32 to vector<16xi32>
      %shift_right_arithmetic3A_120 = arith.shrsi %convert_element_type3A_117, %shift_right_arithmetic3A_119 : vector<16xi32>
      %swap3A_121 = arith.index_cast %mul3A_113 : i32 to index
      %swap3A_122 = tpu.vector_load %arg8[%swap3A_121] {strides = array<i32>} : memref<512xi32, #tpu.memory_space<vmem>>, vector<16xi32>,
      %swap3A_123 = vector.shape_cast %swap3A_122 : vector<16xi32> to vector<16xi32>
      %swap3A_124 = vector.shape_cast %shift_right_arithmetic3A_120 : vector<16xi32> to vector<16xi32>
      tpu.vector_store %arg8[%swap3A_121], %swap3A_124 {strides = array<i32>} : memref<512xi32, #tpu.memory_space<vmem>>, vector<16xi32>,
      %and3A_125 = arith.constant 1023 : i32
      %and3A_126 = vector.broadcast %and3A_125 : i32 to vector<16xi32>
      %and3A_127 = arith.andi %convert_element_type3A_117, %and3A_126 : vector<16xi32>
      %add3A_128 = arith.constant 100 : i32
      %add3A_129 = vector.broadcast %add3A_128 : i32 to vector<16xi32>
      %add3A_130 = arith.addi %and3A_127, %add3A_129 : vector<16xi32>
      %swap3A_131 = arith.index_cast %mul3A_113 : i32 to index
      %swap3A_132 = tpu.vector_load %arg9[%swap3A_131] {strides = array<i32>} : memref<512xi32, #tpu.memory_space<vmem>>, vector<16xi32>,
      %swap3A_133 = vector.shape_cast %swap3A_132 : vector<16xi32> to vector<16xi32>
      %swap3A_134 = vector.shape_cast %add3A_130 : vector<16xi32> to vector<16xi32>
      tpu.vector_store %arg9[%swap3A_131], %swap3A_134 {strides = array<i32>} : memref<512xi32, #tpu.memory_space<vmem>>, vector<16xi32>,
    }
    %scan3A_11 = arith.constant 32 : i32
    %barrier3A = arith.constant 0 : index
    tpu.barrier barrier_id(%barrier3A)
    %dma_start3A_12 = arith.constant 0 : i32
    %dma_start3A_13 = arith.constant 0 : i32
    %dma_start3A_14 = tpu.memref_slice %arg12[%dma_start3A_12, %dma_start3A_13] : memref<1068x32xf32, #tpu.memory_space<vmem_shared>> -> memref<1068x32xf32, #tpu.memory_space<vmem_shared>>
    tpu.enqueue_indirect_dma source(%dma_start3A_14 : memref<1068x32xf32, #tpu.memory_space<vmem_shared>>) target(%arg10 : memref<512x32xf32, #tpu.memory_space<vmem>>) offsets(%arg8 : memref<512xi32, #tpu.memory_space<vmem>>) semaphore(%arg13 : memref<!tpu.dma_semaphore, #tpu.memory_space<semaphore_mem>>)
    %dma_start3A_15 = arith.constant 0 : i32
    %dma_start3A_16 = arith.constant 0 : i32
    %dma_start3A_17 = tpu.memref_slice %arg12[%dma_start3A_15, %dma_start3A_16] : memref<1068x32xf32, #tpu.memory_space<vmem_shared>> -> memref<1068x32xf32, #tpu.memory_space<vmem_shared>>
    tpu.enqueue_indirect_dma source(%dma_start3A_17 : memref<1068x32xf32, #tpu.memory_space<vmem_shared>>) target(%arg11 : memref<512x32xf32, #tpu.memory_space<vmem>>) offsets(%arg9 : memref<512xi32, #tpu.memory_space<vmem>>) semaphore(%arg13 : memref<!tpu.dma_semaphore, #tpu.memory_space<semaphore_mem>>)
    %dma_wait3A_18 = arith.constant 0 : i32
    %dma_wait3A_19 = arith.constant 0 : i32
    %dma_wait3A_20 = tpu.memref_slice %arg12[%dma_wait3A_18, %dma_wait3A_19] : memref<1068x32xf32, #tpu.memory_space<vmem_shared>> -> memref<1068x32xf32, #tpu.memory_space<vmem_shared>>
    tpu.wait_indirect_dma semaphore(%arg13 : memref<!tpu.dma_semaphore, #tpu.memory_space<semaphore_mem>>) src(%dma_wait3A_20 : memref<1068x32xf32, #tpu.memory_space<vmem_shared>>) dst(%arg10 : memref<512x32xf32, #tpu.memory_space<vmem>>)
    %dma_wait3A_21 = arith.constant 0 : i32
    %dma_wait3A_22 = arith.constant 0 : i32
    %dma_wait3A_23 = tpu.memref_slice %arg12[%dma_wait3A_21, %dma_wait3A_22] : memref<1068x32xf32, #tpu.memory_space<vmem_shared>> -> memref<1068x32xf32, #tpu.memory_space<vmem_shared>>
    tpu.wait_indirect_dma semaphore(%arg13 : memref<!tpu.dma_semaphore, #tpu.memory_space<semaphore_mem>>) src(%dma_wait3A_23 : memref<1068x32xf32, #tpu.memory_space<vmem_shared>>) dst(%arg11 : memref<512x32xf32, #tpu.memory_space<vmem>>)
    %dma_start3A_24 = arith.constant 0 : i32
    %dma_start3A_25 = tpu.memref_slice %arg5[%mul3A_2, %dma_start3A_24] : memref<16384x32xf32, #tpu.memory_space<hbm>> -> memref<512x32xf32, #tpu.memory_space<hbm>>
    %dma_start3A_26 = arith.constant 0 : i32
    %dma_start3A_27 = tpu.memref_slice %arg5[%mul3A_2, %dma_start3A_26] : memref<16384x32xf32, #tpu.memory_space<hbm>> -> memref<512x32xf32, #tpu.memory_space<hbm>>
    tpu.enqueue_dma source(%arg10 : memref<512x32xf32, #tpu.memory_space<vmem>>) target(%dma_start3A_27 : memref<512x32xf32, #tpu.memory_space<hbm>>) target_semaphore(%arg13 : memref<!tpu.dma_semaphore, #tpu.memory_space<semaphore_mem>>)
    %dma_start3A_28 = arith.constant 0 : i32
    %dma_start3A_29 = tpu.memref_slice %arg6[%mul3A_2, %dma_start3A_28] : memref<16384x32xf32, #tpu.memory_space<hbm>> -> memref<512x32xf32, #tpu.memory_space<hbm>>
    %dma_start3A_30 = arith.constant 0 : i32
    %dma_start3A_31 = tpu.memref_slice %arg6[%mul3A_2, %dma_start3A_30] : memref<16384x32xf32, #tpu.memory_space<hbm>> -> memref<512x32xf32, #tpu.memory_space<hbm>>
    tpu.enqueue_dma source(%arg11 : memref<512x32xf32, #tpu.memory_space<vmem>>) target(%dma_start3A_31 : memref<512x32xf32, #tpu.memory_space<hbm>>) target_semaphore(%arg13 : memref<!tpu.dma_semaphore, #tpu.memory_space<semaphore_mem>>)
    %dma_wait3A_32 = arith.constant 0 : i32
    %dma_wait3A_33 = tpu.memref_slice %arg5[%mul3A_2, %dma_wait3A_32] : memref<16384x32xf32, #tpu.memory_space<hbm>> -> memref<512x32xf32, #tpu.memory_space<hbm>>
    %dma_wait3A_34 = arith.constant 0 : i32
    %dma_wait3A_35 = tpu.memref_slice %arg5[%mul3A_2, %dma_wait3A_34] : memref<16384x32xf32, #tpu.memory_space<hbm>> -> memref<512x32xf32, #tpu.memory_space<hbm>>
    tpu.wait_dma2 semaphore(%arg13 : memref<!tpu.dma_semaphore, #tpu.memory_space<semaphore_mem>>) src(%arg10 : memref<512x32xf32, #tpu.memory_space<vmem>>) dst(%dma_wait3A_35 : memref<512x32xf32, #tpu.memory_space<hbm>>)
    %dma_wait3A_36 = arith.constant 0 : i32
    %dma_wait3A_37 = tpu.memref_slice %arg6[%mul3A_2, %dma_wait3A_36] : memref<16384x32xf32, #tpu.memory_space<hbm>> -> memref<512x32xf32, #tpu.memory_space<hbm>>
    %dma_wait3A_38 = arith.constant 0 : i32
    %dma_wait3A_39 = tpu.memref_slice %arg6[%mul3A_2, %dma_wait3A_38] : memref<16384x32xf32, #tpu.memory_space<hbm>> -> memref<512x32xf32, #tpu.memory_space<hbm>>
    tpu.wait_dma2 semaphore(%arg13 : memref<!tpu.dma_semaphore, #tpu.memory_space<semaphore_mem>>) src(%arg11 : memref<512x32xf32, #tpu.memory_space<vmem>>) dst(%dma_wait3A_39 : memref<512x32xf32, #tpu.memory_space<hbm>>)
    return
  }
}

</mosaic_0001>

<sc_bundles>
// kernel: kernel.3.cloned.1.call-start
scs
__scs_entry_jumppad:
0x0: {  	(pc) =	sbr.rel $0x88, $3  }
0x1: {  	(tag) =	ssettag $0x0;
	lr =	simm.s32 $0x1  }
0x2: {  	[smem:$0x3F9E] =	sst lr;
	_ =	strace $0xD0000000  }
0x3: {  	_ = 	snop  }
0x4: {  	_ = 	snop  }
0x5: {  	_ = 	snop  }
0x6: {  	_ = 	snop  }
0x7: {  	_ = 	snop  }
__scs_overlays_trampoline_lowered:
0x8: {  	[smem:$0x3FAD] =	sst s0  }
0x9: {  	[smem:$0x3FAE] =	sst s1  }
0xa: {  	[smem:$0x3FAF] =	sst s2  }
0xb: {  	[smem:$0x3FB0] =	sst s3  }
0xc: {  	[smem:$0x3FB1] =	sst s4  }
0xd: {  	[smem:$0x3FB2] =	sst s5  }
0xe: {  	[smem:$0x3FB3] =	sst s6  }
0xf: {  	[smem:$0x3FB4] =	sst s7  }
0x10: {  	[smem:$0x3FB5] =	sst s8  }
0x11: {  	[smem:$0x3FB6] =	sst s9;
	s0 =	simm.s32 @!p0 $0x0  }
0x12: {  	s1 =	sld [smem:$0x3F9C];
	s0 =	simm.s32 @p0 $0x1  }
0x13: {  	[smem:$0x3FB7] =	sst s0;
	s0 =	simm.s32 @!p1 $0x0  }
0x14: {  	s2 =	sld [smem:$0x3F9B];
	s0 =	simm.s32 @p1 $0x1  }
0x15: {  	[smem:$0x3FB8] =	sst s0;
	s0 =	simm.s32 @!p2 $0x0  }
0x16: {  	s3 =	sld [smem:$0x3FDB];
	s0 =	simm.s32 @p2 $0x1  }
0x17: {  	s4 =	simm.s32 $0x1BF5;
	[smem:$0x3FBA] =	sst s0  }
0x18: {  	s0 =	sld [smem:$0x3F9D];
	_ =	swait.ge [sflag:s4], $0x0  }
0x19: {  	s7 =	sld [smem:$0x3F9E]  }
0x1a: {  	s8 =	sadd.s32 $0xFFFFE003, lr  }
0x1b: {  	s9 =	sadd.s32 $0xFFFFFEF7, lr;
	s5 =	simm.s32 $0xFFFFFFFF;
	p2 =	slt.u32 s8, $0xFFFFF086  }
0x1c: {  	p1 =	slt.u32 s9, $0xF7A;
	s5 =	simm.s32 @!p2 $0x0  }
0x1d: {  	s5 =	simm.s32 @p1 $0x1;
	p0 =	seq.s32 s7, s2  }
0x1e: {  	s7 =	smul.u32 @!p0 $0xF7A, s2;
	p2 =	seq.s32 @!p0 s5, $0x0  }
0x1f: {  	s9 =	smul.u32 $0xF7A, s1;
	s8 =	simm.s32 @!p0 $0x1BF5;
	p2 =	por !p2, p0  }
0x20: {  	[sflag:s8] =	ssyncset.s32 @!p0 $0xFFFFF086;
	s6 =	sadd.s32 @!p0 s3, s7;
	s7 =	simm.s32 @!p0 $0x108  }
0x21: {  	s3 =	sadd.s32 s3, s9;
	s6 =	sadd.s32 @!p0 $0x88, s6;
	s7 =	simm.s32 @p2 $0x1082  }
0x22: {  	[simem:s7], [sflag:s8] =	dma.local @!p0 [hbm:s6], $0xF7A  }
0x23: {  	s9 =	sor.u32 $0xD0000000, s2;
	s6 =	simm.s32 $0x108;
	_ =	swait.ge @!p0 [sflag:s8], $0x0  }
0x24: {  	s3 =	sadd.s32 $0x88, s3;
	s6 =	simm.s32 @!p1 $0x1082;
	[sflag:s4] =	ssyncset.s32 $0xFFFFF086  }
0x25: {  	[simem:s6], [sflag:s4] =	dma.local [hbm:s3], $0xF7A  }
0x26: {  	[smem:$0x3F9E] =	sst s1;
	(tag) =	ssettag s2;
	_ =	strace s9  }
0x27: {  	s1 =	sld [smem:$0x3FAE]  }
0x28: {  	s2 =	sld [smem:$0x3FAF]  }
0x29: {  	s4 =	sld [smem:$0x3FB1]  }
0x2a: {  	p0 =	seq.s32 s5, $0x0;
	s5 =	sld [smem:$0x3FB2]  }
0x2b: {  	s6 =	sld [smem:$0x3FB3]  }
0x2c: {  	s7 =	sld [smem:$0x3FB4]  }
0x2d: {  	s3 =	simm.s32 $0x108;
	s8 =	sld [smem:$0x3FB5]  }
0x2e: {  	s3 =	simm.s32 @!p0 $0x1082;
	s9 =	sld [smem:$0x3FB6]  }
0x2f: {  	lr =	sadd.s32 s0, s3;
	s0 =	sld [smem:$0x3FAD]  }
0x30: {  	s3 =	sld [smem:$0x3FB0]  }
0x31: {  	[smem:$0x3FB9] =	sst s10  }
0x32: {  	s10 =	sld [smem:$0x3FB7];
	_ =	sdelay $0x3  }
0x33: {  	p0 =	seq.s32 s10, $0x1;
	s10 =	sld [smem:$0x3FB9];
	_ =	sdelay $0x3  }
0x34: {  	[smem:$0x3FB9] =	sst s10  }
0x35: {  	s10 =	sld [smem:$0x3FB8];
	_ =	sdelay $0x3  }
0x36: {  	p1 =	seq.s32 s10, $0x1;
	s10 =	sld [smem:$0x3FB9];
	_ =	sdelay $0x3  }
0x37: {  	[smem:$0x3FB9] =	sst s10  }
0x38: {  	s10 =	sld [smem:$0x3FBA]  }
0x39: {  	_ = 	snop;
	(pc) =	sbr.ind lr, $3  }
0x3a: {  	_ = 	snop  }
0x3b: {  	_ = 	snop  }
0x3c: {  	p2 =	seq.s32 s10, $0x1;
	s10 =	sld [smem:$0x3FB9]  }
0x3d: {  	_ =	shalt  }
0x3e: {  	_ =	shalt  }
0x3f: {  	_ =	shalt  }
0x40: {  	_ =	shalt  }
0x41: {  	_ =	shalt  }
0x42: {  	_ =	shalt  }
0x43: {  	_ =	shalt  }
0x44: {  	_ =	shalt  }
0x45: {  	_ =	shalt  }
0x46: {  	_ =	shalt  }
0x47: {  	_ =	shalt  }
0x48: {  	_ =	shalt  }
0x49: {  	_ =	shalt  }
0x4a: {  	_ =	shalt  }
0x4b: {  	_ =	shalt  }
0x4c: {  	_ =	shalt  }
0x4d: {  	_ =	shalt  }
0x4e: {  	_ =	shalt  }
0x4f: {  	_ =	shalt  }
0x50: {  	_ =	shalt  }
0x51: {  	_ =	shalt  }
0x52: {  	_ =	shalt  }
0x53: {  	_ =	shalt  }
0x54: {  	_ =	shalt  }
0x55: {  	_ =	shalt  }
0x56: {  	_ =	shalt  }
0x57: {  	_ =	shalt  }
0x58: {  	_ =	shalt  }
0x59: {  	_ =	shalt  }
0x5a: {  	_ =	shalt  }
0x5b: {  	_ =	shalt  }
0x5c: {  	_ =	shalt  }
0x5d: {  	_ =	shalt  }
0x5e: {  	_ =	shalt  }
0x5f: {  	_ =	shalt  }
0x60: {  	_ =	shalt  }
0x61: {  	_ =	shalt  }
0x62: {  	_ =	shalt  }
0x63: {  	_ =	shalt  }
0x64: {  	_ =	shalt  }
0x65: {  	_ =	shalt  }
0x66: {  	_ =	shalt  }
0x67: {  	_ =	shalt  }
0x68: {  	_ =	shalt  }
0x69: {  	_ =	shalt  }
0x6a: {  	_ =	shalt  }
0x6b: {  	_ =	shalt  }
0x6c: {  	_ =	shalt  }
0x6d: {  	_ =	shalt  }
0x6e: {  	_ =	shalt  }
0x6f: {  	_ =	shalt  }
0x70: {  	_ =	shalt  }
0x71: {  	_ =	shalt  }
0x72: {  	_ =	shalt  }
0x73: {  	_ =	shalt  }
0x74: {  	_ =	shalt  }
0x75: {  	_ =	shalt  }
0x76: {  	_ =	shalt  }
0x77: {  	_ =	shalt  }
0x78: {  	_ =	shalt  }
0x79: {  	_ =	shalt  }
0x7a: {  	_ =	shalt  }
0x7b: {  	_ =	shalt  }
0x7c: {  	_ =	shalt  }
0x7d: {  	_ =	shalt  }
0x7e: {  	_ =	shalt  }
0x7f: {  	_ =	shalt  }
0x80: {  	_ =	shalt  }
0x81: {  	_ =	shalt  }
0x82: {  	_ =	shalt  }
0x83: {  	_ =	shalt  }
0x84: {  	_ =	shalt  }
0x85: {  	_ =	shalt  }
0x86: {  	_ =	shalt  }
0x87: {  	_ =	shalt  }
.Lfunc_end0:
.L_simem_size_0:
called_computation_lowered:
.L_overlay_start_0:
0x88: {  	s2 =	sld [smem:$0x3FD9]  }
0x89: {  	s3 =	sld [smem:$0x3FFE];
	_ =	sdelay $0x1  }
0x8a: {  	s1 =	srdreg.scid  }
0x8b: {  	s0 =	sand.u32 $0x1, s1  }
0x8c: {  	s17 =	sshll.u32 s0, $0xA;
	s2 =	sadd.s32 s3, s2  }
0x8d: {  	s2 =	sadd.s32 s2, s17  }
0x8e: {  	[smem:$0x3FC5] =	sst s2  }
0x8f: {  	_ = 	snop  }
0x90: {  	s2 =	sld [smem:$0x3FD0];
	(tm) =	ssettm $0x1  }
0x91: {  	s18 =	sld [smem:$0x3FFB];
	_ =	sdelay $0x3  }
0x92: {  	_ =	strace s18  }
0x93: {  	s3 =	sld [smem:$0x3FFC];
	_ =	sdelay $0x3  }
0x94: {  	_ =	strace s3  }
0x95: {  	s3 =	sld [smem:$0x3FFD];
	_ =	sdelay $0x3  }
0x96: {  	_ =	strace s3  }
0x97: {  	_ =	strace $0x8FFFFFFF  }
0x98: {  	s19 =	sld [smem:$0x3FDB];
	_ =	sdelay $0x1  }
0x99: {  	s4 =	simm.s32 $_scs_section_size  }
0x9a: {  	s5 =	simm.s32 $_size__tile_overlayer_lowered;
	s6 =	simm.s32 $_tile_overlayer_lowered  }
0x9b: {  	s22 =	simm.s32 $0x1BFF;
	s21 =	sshll.u32 s6, $0x1;
	s3 =	sadd.s32 s4, s19  }
0x9c: {  	s7 =	simm.s32 $0x0;
	s20 =	sshll.u32 s5, $0x1;
	s5 =	sadd.s32 s21, s3  }
0x9d: {  	[timem:s7], [sflag:s22] =	dma.local [hbm:s5], s20  }
0x9e: {  	_ =	swait.ge [sflag:s22], s20  }
0x9f: {  	s4 =	ssub.s32 $0x0, s20;
	[sflag:s22] =	ssyncset.done $0x0  }
0xa0: {  	[sflag:s22] =	ssyncadd.s32 s4;
	_ =	sdelay $0x1  }
0xa1: {  	s23 =	simm.s32 $0x1B8B  }
0xa2: {  	_ =	swait.ge [sflag:s23], $0x1  }
0xa3: {  	[sflag:s23] =	ssyncset.done $0x0  }
0xa4: {  	s25 =	simm.s32 $0x1B8E;
	s24 =	sld [smem:$0x3FFE];
	[sflag:s23] =	ssyncadd.s32 $0xFFFFFFFF  }
0xa5: {  	s26 =	simm.s32 $execute0_lowered;
	[smem:$0x3FD2] =	sst s25  }
0xa6: {  	s5 =	sshll.u32 s26, $0x1;
	_ =	strace $0x80000046;
	[dreg:$0x1] =	wrdreg $0xFFFFFFFF  }
0xa7: {  	s28 =	simm.s32 $_size_execute0_lowered;
	s3 =	sadd.s32 s3, s5;
	[dreg:$0x0] =	wrdreg $0x0  }
0xa8: {  	s5 =	sshll.u32 s28, $0x1;
	[dreg:$0x2] =	wrdreg s3  }
0xa9: {  	[dreg:$0x3] =	wrdreg s5  }
0xaa: {  	[dreg:$0x4] =	wrdreg $0xC0  }
0xab: {  	_ =	task [dreg:s7], $0x5FFFF  }
0xac: {  	[dreg:$0x1] =	wrdreg $0xFFFFFFFF  }
0xad: {  	[dreg:$0x0] =	wrdreg $0x60  }
0xae: {  	[dreg:$0x2] =	wrdreg s24  }
0xaf: {  	[dreg:$0x3] =	wrdreg s2  }
0xb0: {  	[dreg:$0x4] =	wrdreg $0x86000  }
0xb1: {  	[dreg:$0x5] =	wrdreg $0x9  }
0xb2: {  	_ =	task.clear_ibuf [dreg:s7], $0x6FFFF;
	_ =	strace $0x90000046  }
0xb3: {  	s29 =	simm.s32 $0x9;
	_ =	strace $0x80000048  }
0xb4: {  	_ =	swait.ge [sflag:s29], $0x1  }
0xb5: {  	[sflag:s29] =	ssyncadd.s32 $0xFFFFFFFF  }
0xb6: {  	_ =	strace $0x90000048  }
0xb7: {  	_ =	sfence  }
0xb8: {  	s30 =	sld [smem:$0x0];
	_ =	sdelay $0x2  }
0xb9: {  	s31 =	sshll.u32 s1, $0xD;
	s1 =	sshrl.u32 s1, $0x2  }
0xba: {  	s3 =	sand.u32 $0x4000, s31;
	s1 =	sadd.s32 s1, s30  }
0xbb: {  	s0 =	sor.u32 s3, s0;
	s1 =	sshll.u32 s1, $0x11  }
0xbc: {  	s0 =	sor.u32 s1, s0  }
0xbd: {  	s0 =	sadd.s32 $0x8F2B, s0  }
0xbe: {  	[sflag:s0] =	ssyncadd.remote.s32 $0x1  }
0xbf: {  	_ =	sfence.sel $0xFFFF  }
0xc0: {  	[dreg:$0x0] =	wrdreg $0xFFFFFFFF;
	(pc) =	sbr.abs _section_cstart, $3  }
0xc1: {  	[dreg:$0x1] =	wrdreg $0xFFFFFFFF  }
0xc2: {  	_ =	task.clear_ibuf [dreg:s7], $0x2FFFF;
	_ =	strace $0x9FFFFFFF  }
0xc3: {  	(tm) =	ssettm $0x7FFFFFFF  }
tec
execute0_lowered:
.L_overlay_start_1:
0x0: {  	(tag) =	ssettag $0x1  }
0x1: {  	s4 =	rddreg [dreg:$0x0];
	s0 =	srdreg.scid  }
0x2: {  	s7 =	rddreg [dreg:$0x1];
	s3 =	stileid.u32  }
0x3: {  	s2 =	rddreg [dreg:$0x2];
	s1 =	simm.s32 $0x0;
	s5 =	sand.u32 $0x1, s0  }
0x4: {  	s6 =	sshll.u32 s3, $0xA;
	s0 =	rddreg [dreg:$0x3];
	s8 =	sshll.u32 s5, $0x9  }
0x5: {  	[smem:$0x7FF] =	sst s1;
	s6 =	sor.u32 s8, s6  }
0x6: {  	s10 =	sadd.s32 $0xE00, s4;
	p0 =	sne.s32 s3, $0x0;
	s8 =	sshrl.u32 s6, $0x3  }
0x7: {  	_ =	strace $0x80000047;
	s12 =	sshrl.u32 @!p0 s2, $0x3;
	s8 =	sadd.s32 s8, s4  }
0x8: {  	s13 =	simm.s32 @!p0 $0x1C02;
	s14 =	simm.s32 @!p0 $0x2;
	s11 =	sadd.s32 $0x1000, s8  }
0x9: {  	[tilespmem:s1], [sflag:$0x1] =	stream.linear.gather [hbm4b:s11+s1], $0x200, $0x38;
	[tilespmem:$0x8E58] =	vst v63  }
0xa: {  	[spmem:s12], [sflag:s13] =	dma.local @!p0 [hbm:s10], $0x190  }
0xb: {  	_ =	swait.ge @!p0 [sflag:s14], $0x190  }
0xc: {  	s3 =	sadd.s32 $0xC80, s2;
	[sflag:s14] =	ssyncset.done @!p0 $0x0  }
0xd: {  	s15 =	sadd.s32 $0x1800, s4;
	s16 =	sshrl.u32 @!p0 s3, $0x3;
	[sflag:s14] =	ssyncadd.s32 @!p0 $0xFFFFFE70  }
0xe: {  	[spmem:s16], [sflag:s13] =	dma.local @!p0 [hbm:s15], $0xF20  }
0xf: {  	_ =	swait.ge @!p0 [sflag:s14], $0xF20  }
0x10: {  	[sflag:s14] =	ssyncset.done @!p0 $0x0  }
0x11: {  	s3 =	simm.s32 $0x1;
	[sflag:s14] =	ssyncadd.s32 @!p0 $0xFFFFF0E0  }
0x12: {  	_ =	swait.ge [sflag:s3], $0x200  }
0x13: {  	[sflag:s3] =	ssyncset.done $0x0  }
0x14: {  	[sflag:s3] =	ssyncadd.s32 $0xFFFFFE00  }
0x15: {  	v0 =	vld [tilespmem:$0x1F0]  }
0x16: {  	v1 =	vld [tilespmem:$0xC0]  }
0x17: {  	v2 =	vld [tilespmem:$0x10]  }
0x18: {  	v3 =	vld [tilespmem:$0x20]  }
0x19: {  	v4 =	vld [tilespmem:$0x30]  }
0x1a: {  	v5 =	vld [tilespmem:$0x0]  }
0x1b: {  	v8 =	vld [tilespmem:$0x50]  }
0x1c: {  	v14 =	vld [tilespmem:$0xD0];
	v0 =	vtrunc.f32 v0  }
0x1d: {  	v1 =	vtrunc.f32 v1;
	v3 =	vtrunc.f32 v3  }
0x1e: {  	v4 =	vtrunc.f32 v4;
	v0 =	vcvt.f32.s32 v0  }
0x1f: {  	v6 =	vld [tilespmem:$0x40];
	v5 =	vtrunc.f32 v5;
	v1 =	vcvt.f32.s32 v1  }
0x20: {  	v9 =	vld [tilespmem:$0x60];
	v2 =	vtrunc.f32 v2;
	v8 =	vtrunc.f32 v8;
	v7 =	vshra.s32 v0, $0xA  }
0x21: {  	v12 =	vld [tilespmem:$0x80];
	v14 =	vtrunc.f32 v14;
	v11 =	vand.u32 $0x3FF, v1;
	v1 =	vshra.s32 v1, $0xA;
	[tilespmem:$0x3F0] =	vst v7  }
0x22: {  	v16 =	vld [tilespmem:$0xE0];
	v3 =	vcvt.f32.s32 v3;
	v10 =	vand.u32 $0x3FF, v0;
	v11 =	vadd.s32 $0x64, v11;
	[tilespmem:$0x2C0] =	vst v1  }
0x23: {  	v17 =	vld [tilespmem:$0xF0];
	v2 =	vcvt.f32.s32 v2;
	v8 =	vcvt.f32.s32 v8;
	v10 =	vadd.s32 $0x64, v10;
	[tilespmem:$0x4C0] =	vst v11  }
0x24: {  	v18 =	vld [tilespmem:$0x100];
	v7 =	vtrunc.f32 v6;
	v1 =	vshra.s32 v3, $0xA;
	v3 =	vand.u32 $0x3FF, v3;
	[tilespmem:$0x5F0] =	vst v10  }
0x25: {  	v0 =	vld [tilespmem:$0x70];
	v11 =	vcvt.f32.s32 v7;
	v10 =	vand.u32 $0x3FF, v2;
	[tilespmem:$0x220] =	vst v1;
	v1 =	vadd.s32 $0x64, v3  }
0x26: {  	v5 =	vcvt.f32.s32 v5;
	v6 =	vld [tilespmem:$0xA0];
	v3 =	vtrunc.f32 v9;
	v9 =	vadd.s32 $0x64, v10;
	[tilespmem:$0x420] =	vst v1  }
0x27: {  	v7 =	vld [tilespmem:$0xB0];
	v13 =	vcvt.f32.s32 v3;
	v1 =	vshra.s32 v11, $0xA;
	[tilespmem:$0x410] =	vst v9;
	v9 =	vshra.s32 v8, $0xA  }
0x28: {  	s5 =	ssub.s32 $0x2, s5;
	v3 =	vld [tilespmem:$0x110];
	v10 =	vand.u32 $0x3FF, v11;
	v8 =	vand.u32 $0x3FF, v8;
	v11 =	vtrunc.f32 v12;
	[tilespmem:$0x250] =	vst v9  }
0x29: {  	s30 =	sshrl.u32 s5, $0x1;
	v12 =	vshra.s32 v5, $0xA;
	v5 =	vand.u32 $0x3FF, v5;
	v15 =	vadd.s32 $0x64, v8;
	v8 =	vld [tilespmem:$0x120];
	[tilespmem:$0x240] =	vst v1  }
0x2a: {  	s5 =	ssub.s32 s5, s30;
	v18 =	vtrunc.f32 v18;
	v9 =	vld [tilespmem:$0x130];
	[tilespmem:$0x200] =	vst v12;
	v1 =	vadd.s32 $0x64, v5;
	v5 =	vshra.s32 v2, $0xA  }
0x2b: {  	s31 =	smax.u32 s5, $0x1;
	v19 =	vadd.s32 $0x64, v10;
	v10 =	vtrunc.f32 v17;
	v2 =	vld [tilespmem:$0x140];
	v12 =	vand.u32 $0x3FF, v13;
	[tilespmem:$0x210] =	vst v5  }
0x2c: {  	s17 =	sadd.s32 $0xFFFFFFFF, s31;
	v17 =	vcvt.f32.s32 v10;
	v5 =	vld [tilespmem:$0x150];
	[tilespmem:$0x400] =	vst v1;
	v1 =	vadd.s32 $0x64, v12;
	v12 =	vtrunc.f32 v16  }
0x2d: {  	p1 =	sne.s32 s17, $0x0;
	v10 =	vld [tilespmem:$0x160];
	[tilespmem:$0x440] =	vst v19;
	v19 =	vcvt.f32.s32 v18;
	v3 =	vtrunc.f32 v3  }
.Ltmp0:
0x2e: {  	s9 =	sshll.u32 s6, $0x2;
	[tilespmem:$0x460] =	vst v1;
	v1 =	vld [tilespmem:$0x170];
	v16 =	vand.u32 $0x3FF, v17;
	v3 =	vcvt.f32.s32 v3;
	v8 =	vtrunc.f32 v8;
	(pc) =	sbr.rel @!p1 .LBB2_2-.Ltmp0, $4  }
0x2f: {  	s6 =	simm.s32 $0x200;
	s4 =	sadd.s32 s9, s4;
	v18 =	vcvt.f32.s32 v12;
	v12 =	vld [tilespmem:$0x190];
	v16 =	vadd.s32 $0x64, v16;
	v20 =	vcvt.f32.s32 v8  }
0x30: {  	s5 =	simm.s32 $0x600;
	s7 =	sadd.s32 s7, s9;
	s9 =	simm.s32 $0x4600;
	v4 =	vcvt.f32.s32 v4;
	[tilespmem:$0x4F0] =	vst v16;
	v8 =	vld [tilespmem:$0x180];
	v16 =	vshra.s32 v3, $0xA;
	v3 =	vand.u32 $0x3FF, v3  }
0x31: {  	s4 =	sadd.s32 $0x2800, s4;
	[tilespmem:$0x310] =	vst v16;
	v21 =	vadd.s32 $0x64, v3;
	v16 =	vld [tilespmem:$0x1A0];
	v3 =	vshra.s32 v20, $0xA;
	v23 =	vand.u32 $0x3FF, v20  }
0x32: {  	s8 =	simm.s32 $0x400;
	v22 =	vand.u32 $0x3FF, v19;
	v20 =	vshra.s32 v19, $0xA;
	[tilespmem:$0x320] =	vst v3;
	v19 =	vadd.s32 $0x64, v23;
	v3 =	vld [tilespmem:$0x1B0]  }
.LBB2_1:
0x33: {  	s17 =	sadd.s32 $0xFFFFFFFF, s17;
	[tilespmem:$0x450] =	vst v15;
	v15 =	vand.u32 $0x3FF, v18;
	v17 =	vshra.s32 v17, $0xA;
	v22 =	vadd.s32 $0x64, v22;
	v23 =	vld [tilespmem:$0x1C0]  }
0x34: {  	v24 =	vcvt.f32.s32 v14;
	v18 =	vshra.s32 v18, $0xA;
	p1 =	sne.s32 s17, $0x0;
	v15 =	vadd.s32 $0x64, v15;
	[tilespmem:$0x2F0] =	vst v17;
	v14 =	vld [tilespmem:$0x1D0]  }
0x35: {  	v13 =	vshra.s32 v13, $0xA;
	v6 =	vtrunc.f32 v6;
	v7 =	vtrunc.f32 v7;
	[tilespmem:$0x510] =	vst v21;
	v17 =	vld [tilespmem:$0x1E0]  }
0x36: {  	v7 =	vcvt.f32.s32 v7;
	v21 =	vshra.s32 v24, $0xA;
	v24 =	vand.u32 $0x3FF, v24;
	[tilespmem:$0x260] =	vst v13;
	v13 =	vld [tilespmem:$0x90]  }
0x37: {  	v6 =	vcvt.f32.s32 v6;
	v24 =	vadd.s32 $0x64, v24;
	v16 =	vtrunc.f32 v16;
	[tilespmem:$0x300] =	vst v20  }
0x38: {  	v11 =	vcvt.f32.s32 v11;
	v20 =	vshra.s32 v7, $0xA;
	v7 =	vand.u32 $0x3FF, v7;
	[tilespmem:$0x520] =	vst v19  }
0x39: {  	v19 =	vshra.s32 v6, $0xA;
	v6 =	vand.u32 $0x3FF, v6;
	v7 =	vadd.s32 $0x64, v7;
	[tilespmem:$0x2D0] =	vst v21  }
0x3a: {  	v21 =	vand.u32 $0x3FF, v11;
	v6 =	vadd.s32 $0x64, v6;
	[tilespmem:$0x2E0] =	vst v18;
	v18 =	vtrunc.f32 v23  }
0x3b: {  	v0 =	vtrunc.f32 v0;
	v21 =	vadd.s32 $0x64, v21;
	v13 =	vtrunc.f32 v13;
	[tilespmem:$0x2B0] =	vst v20  }
0x3c: {  	v0 =	vcvt.f32.s32 v0;
	v11 =	vshra.s32 v11, $0xA;
	v13 =	vcvt.f32.s32 v13;
	[tilespmem:$0x2A0] =	vst v19  }
0x3d: {  	v9 =	vtrunc.f32 v9;
	v19 =	vshra.s32 v4, $0xA;
	v4 =	vand.u32 $0x3FF, v4;
	[tilespmem:$0x280] =	vst v11  }
0x3e: {  	v11 =	vshra.s32 v0, $0xA;
	v0 =	vand.u32 $0x3FF, v0;
	v20 =	vshra.s32 v13, $0xA;
	[tilespmem:$0x500] =	vst v22  }
0x3f: {  	v9 =	vcvt.f32.s32 v9;
	v0 =	vadd.s32 $0x64, v0;
	v13 =	vand.u32 $0x3FF, v13;
	[tilespmem:$0x480] =	vst v21  }
0x40: {  	v10 =	vtrunc.f32 v10;
	v4 =	vadd.s32 $0x64, v4;
	[tilespmem:$0x290] =	vst v20  }
0x41: {  	[tilespmem:$0x430] =	vst v4;
	v4 =	vcvt.f32.s32 v10;
	v10 =	vtrunc.f32 v12  }
0x42: {  	[tilespmem:$0x4A0] =	vst v6;
	v6 =	vshra.s32 v9, $0xA;
	v9 =	vand.u32 $0x3FF, v9;
	v10 =	vcvt.f32.s32 v10  }
0x43: {  	[tilespmem:$0x330] =	vst v6;
	v6 =	vadd.s32 $0x64, v9;
	v9 =	vshra.s32 v4, $0xA;
	v4 =	vand.u32 $0x3FF, v4  }
0x44: {  	[tilespmem:$0x230] =	vst v19;
	v4 =	vadd.s32 $0x64, v4;
	v12 =	vshra.s32 v10, $0xA;
	v10 =	vand.u32 $0x3FF, v10  }
0x45: {  	v13 =	vadd.s32 $0x64, v13;
	[tilespmem:$0x4B0] =	vst v7;
	v7 =	vtrunc.f32 v8;
	v8 =	vadd.s32 $0x64, v10  }
0x46: {  	v5 =	vtrunc.f32 v5;
	[tilespmem:$0x4D0] =	vst v24;
	v7 =	vcvt.f32.s32 v7  }
0x47: {  	v2 =	vtrunc.f32 v2;
	v5 =	vcvt.f32.s32 v5;
	[tilespmem:$0x4E0] =	vst v15  }
0x48: {  	v2 =	vcvt.f32.s32 v2;
	[tilespmem:$0x530] =	vst v6;
	v6 =	vshra.s32 v7, $0xA;
	v7 =	vand.u32 $0x3FF, v7  }
0x49: {  	v1 =	vtrunc.f32 v1;
	v10 =	vand.u32 $0x3FF, v5;
	[tilespmem:$0x360] =	vst v9;
	v7 =	vadd.s32 $0x64, v7  }
0x4a: {  	v1 =	vcvt.f32.s32 v1;
	v5 =	vshra.s32 v5, $0xA;
	v9 =	vadd.s32 $0x64, v10;
	[tilespmem:$0x590] =	vst v8  }
0x4b: {  	v3 =	vtrunc.f32 v3;
	v8 =	vshra.s32 v2, $0xA;
	v2 =	vand.u32 $0x3FF, v2;
	[tilespmem:$0x380] =	vst v6  }
0x4c: {  	v2 =	vadd.s32 $0x64, v2;
	[tilespmem:$0x350] =	vst v5;
	v5 =	vshra.s32 v1, $0xA;
	v1 =	vand.u32 $0x3FF, v1  }
0x4d: {  	v6 =	vcvt.f32.s32 v16;
	[tilespmem:$0x340] =	vst v8;
	v1 =	vadd.s32 $0x64, v1;
	v8 =	vcvt.f32.s32 v18  }
0x4e: {  	v3 =	vcvt.f32.s32 v3;
	v10 =	vtrunc.f32 v17;
	[tilespmem:$0x490] =	vst v13  }
0x4f: {  	[tilespmem:$0x270] =	vst v11;
	v11 =	vshra.s32 v6, $0xA;
	v6 =	vand.u32 $0x3FF, v6;
	v13 =	vand.u32 $0x3FF, v8  }
0x50: {  	[tilespmem:$0x3A0] =	vst v11;
	v6 =	vadd.s32 $0x64, v6;
	v11 =	vand.u32 $0x3FF, v3;
	v13 =	vadd.s32 $0x64, v13  }
0x51: {  	v8 =	vshra.s32 v8, $0xA;
	[tilespmem:$0x540] =	vst v2;
	v2 =	vshra.s32 v3, $0xA;
	v3 =	vadd.s32 $0x64, v11  }
0x52: {  	v10 =	vcvt.f32.s32 v10;
	[tilespmem:$0x550] =	vst v9;
	v9 =	vtrunc.f32 v14  }
0x53: {  	[tilespmem:$0x580] =	vst v7;
	v7 =	vcvt.f32.s32 v9  }
0x54: {  	v9 =	vshra.s32 v10, $0xA;
	v10 =	vand.u32 $0x3FF, v10;
	[tilespmem:$0x5C0] =	vst v13  }
0x55: {  	v11 =	vshra.s32 v7, $0xA;
	v7 =	vand.u32 $0x3FF, v7;
	[tilespmem:$0x3E0] =	vst v9;
	v9 =	vadd.s32 $0x64, v10  }
0x56: {  	[tilespmem:$0x3D0] =	vst v11;
	v7 =	vadd.s32 $0x64, v7  }
0x57: {  	[tilespmem:$0x390] =	vst v12  }
0x58: {  	[tilespmem:$0x470] =	vst v0  }
0x59: {  	[tilespmem:$0x5D0] =	vst v7  }
0x5a: {  	[tilespmem:$0x5E0] =	vst v9  }
0x5b: {  	[tilespmem:$0x5A0] =	vst v6  }
0x5c: {  	[tilespmem:$0x370] =	vst v5  }
0x5d: {  	[tilespmem:$0x3C0] =	vst v8  }
0x5e: {  	[tilespmem:$0x560] =	vst v4  }
0x5f: {  	[tilespmem:$0x3B0] =	vst v2  }
0x60: {  	[tilespmem:$0x5B0] =	vst v3  }
0x61: {  	[tilespmem:$0x570] =	vst v1  }
0x62: {  	[bflag:$0x0] =	sbarrier.arrive $0xFFFF  }
0x63: {  	[tilespmem:s5], [sflag:$0x1] =	stream.indirect.gather [spmem:s2], $0x20, s6, s6, $0xb8;
	[tilespmem:$0x8E58] =	vst v63  }
0x64: {  	_ = 	snop  }
0x65: {  	[tilespmem:s9], [sflag:$0x1] =	stream.indirect.gather [spmem:s2], $0x20, s8, s6, $0xb8;
	[tilespmem:$0x8E58] =	vst v63  }
0x66: {  	_ =	swait.ge [sflag:s3], $0x4000  }
0x67: {  	[sflag:s3] =	ssyncset.done $0x0  }
0x68: {  	[sflag:s3] =	ssyncadd.s32 $0xFFFFC000  }
0x69: {  	_ =	swait.ge [sflag:s3], $0x4000  }
0x6a: {  	[sflag:s3] =	ssyncset.done $0x0  }
0x6b: {  	[sflag:s3] =	ssyncadd.s32 $0xFFFFC000  }
0x6c: {  	[hbm4b:s7+s1] =	stream.linear.scatter [tilespmem:s5], [sflag:$0x1], $0x4000, $0x38;
	[tilespmem:$0x8E58] =	vst v63  }
0x6d: {  	_ = 	snop  }
0x6e: {  	[hbm4b:s4+s1] =	stream.linear.scatter [tilespmem:s9], [sflag:$0x1], $0x4000, $0x38;
	[tilespmem:$0x8E58] =	vst v63  }
0x6f: {  	_ =	swait.ge [sflag:s3], $0x4000  }
0x70: {  	[sflag:s3] =	ssyncset.done $0x0  }
0x71: {  	[sflag:s3] =	ssyncadd.s32 $0xFFFFC000  }
0x72: {  	_ =	swait.ge [sflag:s3], $0x4000  }
0x73: {  	[sflag:s3] =	ssyncset.done $0x0  }
0x74: {  	[sflag:s3] =	ssyncadd.s32 $0xFFFFC000  }
0x75: {  	[tilespmem:s1], [sflag:$0x1] =	stream.linear.gather [hbm4b:s11+s1], $0x200, $0x38;
	[tilespmem:$0x8E58] =	vst v63  }
0x76: {  	[spmem:s12], [sflag:s13] =	dma.local @!p0 [hbm:s10], $0x190  }
0x77: {  	_ =	swait.ge @!p0 [sflag:s14], $0x190  }
0x78: {  	[sflag:s14] =	ssyncset.done @!p0 $0x0  }
0x79: {  	[sflag:s14] =	ssyncadd.s32 @!p0 $0xFFFFFE70  }
0x7a: {  	[spmem:s16], [sflag:s13] =	dma.local @!p0 [hbm:s15], $0xF20  }
0x7b: {  	_ =	swait.ge @!p0 [sflag:s14], $0xF20  }
0x7c: {  	[sflag:s14] =	ssyncset.done @!p0 $0x0  }
0x7d: {  	[sflag:s14] =	ssyncadd.s32 @!p0 $0xFFFFF0E0  }
0x7e: {  	_ =	swait.ge [sflag:s3], $0x200  }
0x7f: {  	[sflag:s3] =	ssyncset.done $0x0  }
0x80: {  	[sflag:s3] =	ssyncadd.s32 $0xFFFFFE00  }
0x81: {  	v0 =	vld [tilespmem:$0x1F0]  }
0x82: {  	v1 =	vld [tilespmem:$0xC0]  }
0x83: {  	v2 =	vld [tilespmem:$0x10]  }
0x84: {  	v3 =	vld [tilespmem:$0x20]  }
0x85: {  	v4 =	vld [tilespmem:$0x30]  }
0x86: {  	v5 =	vld [tilespmem:$0x0];
	v0 =	vtrunc.f32 v0  }
0x87: {  	v6 =	vld [tilespmem:$0x40];
	v1 =	vtrunc.f32 v1;
	v0 =	vcvt.f32.s32 v0  }
0x88: {  	v8 =	vld [tilespmem:$0x50];
	v1 =	vcvt.f32.s32 v1  }
0x89: {  	v9 =	vld [tilespmem:$0x60];
	v7 =	vshra.s32 v0, $0xA;
	v10 =	vand.u32 $0x3FF, v0  }
0x8a: {  	v3 =	vtrunc.f32 v3;
	v4 =	vtrunc.f32 v4;
	v0 =	vld [tilespmem:$0x70];
	v11 =	vand.u32 $0x3FF, v1;
	[tilespmem:$0x3F0] =	vst v7  }
0x8b: {  	v2 =	vtrunc.f32 v2;
	v5 =	vtrunc.f32 v5;
	v12 =	vld [tilespmem:$0x80];
	v7 =	vadd.s32 $0x64, v11  }
0x8c: {  	v2 =	vcvt.f32.s32 v2;
	v10 =	vadd.s32 $0x64, v10;
	v11 =	vtrunc.f32 v6;
	v6 =	vld [tilespmem:$0xA0];
	[tilespmem:$0x4C0] =	vst v7  }
0x8d: {  	v3 =	vcvt.f32.s32 v3;
	v1 =	vshra.s32 v1, $0xA;
	v11 =	vcvt.f32.s32 v11;
	v7 =	vld [tilespmem:$0xB0];
	[tilespmem:$0x5F0] =	vst v10  }
0x8e: {  	v5 =	vcvt.f32.s32 v5;
	v10 =	vand.u32 $0x3FF, v2;
	v8 =	vtrunc.f32 v8;
	[tilespmem:$0x2C0] =	vst v1;
	v1 =	vld [tilespmem:$0xD0]  }
0x8f: {  	v13 =	vshra.s32 v3, $0xA;
	v3 =	vand.u32 $0x3FF, v3;
	v8 =	vcvt.f32.s32 v8;
	v16 =	vld [tilespmem:$0xE0]  }
0x90: {  	v4 =	vcvt.f32.s32 v4;
	v3 =	vadd.s32 $0x64, v3;
	v9 =	vtrunc.f32 v9;
	[tilespmem:$0x220] =	vst v13;
	v17 =	vld [tilespmem:$0xF0]  }
0x91: {  	v10 =	vadd.s32 $0x64, v10;
	v18 =	vand.u32 $0x3FF, v11;
	[tilespmem:$0x420] =	vst v3;
	v3 =	vshra.s32 v11, $0xA;
	v19 =	vld [tilespmem:$0x100]  }
0x92: {  	v13 =	vcvt.f32.s32 v9;
	[tilespmem:$0x410] =	vst v10;
	v10 =	vshra.s32 v8, $0xA;
	v8 =	vand.u32 $0x3FF, v8;
	v20 =	vld [tilespmem:$0x110]  }
0x93: {  	v11 =	vtrunc.f32 v12;
	[tilespmem:$0x250] =	vst v10;
	v15 =	vadd.s32 $0x64, v8;
	v14 =	vtrunc.f32 v1;
	v1 =	vld [tilespmem:$0x120]  }
0x94: {  	v8 =	vshra.s32 v5, $0xA;
	v5 =	vand.u32 $0x3FF, v5;
	[tilespmem:$0x240] =	vst v3;
	v3 =	vadd.s32 $0x64, v18;
	v9 =	vld [tilespmem:$0x130]  }
0x95: {  	[tilespmem:$0x200] =	vst v8;
	v8 =	vadd.s32 $0x64, v5;
	v5 =	vshra.s32 v2, $0xA;
	v10 =	vtrunc.f32 v17;
	v2 =	vld [tilespmem:$0x140]  }
0x96: {  	v12 =	vand.u32 $0x3FF, v13;
	[tilespmem:$0x210] =	vst v5;
	v17 =	vcvt.f32.s32 v10;
	v18 =	vtrunc.f32 v19;
	v5 =	vld [tilespmem:$0x150]  }
0x97: {  	[tilespmem:$0x400] =	vst v8;
	v8 =	vadd.s32 $0x64, v12;
	v12 =	vtrunc.f32 v16;
	v16 =	vtrunc.f32 v20;
	v10 =	vld [tilespmem:$0x160]  }
.Ltmp1:
0x98: {  	[tilespmem:$0x460] =	vst v8;
	v8 =	vand.u32 $0x3FF, v17;
	v16 =	vcvt.f32.s32 v16;
	v19 =	vtrunc.f32 v1;
	v1 =	vld [tilespmem:$0x170];
	(pc) =	sbr.rel @p1 .LBB2_1-.Ltmp1, $4  }
0x99: {  	v22 =	vcvt.f32.s32 v18;
	[tilespmem:$0x440] =	vst v3;
	v3 =	vadd.s32 $0x64, v8;
	v19 =	vcvt.f32.s32 v19;
	v8 =	vld [tilespmem:$0x180]  }
0x9a: {  	v18 =	vcvt.f32.s32 v12;
	[tilespmem:$0x4F0] =	vst v3;
	v3 =	vshra.s32 v16, $0xA;
	v16 =	vand.u32 $0x3FF, v16;
	v12 =	vld [tilespmem:$0x190]  }
0x9b: {  	[tilespmem:$0x310] =	vst v3;
	v21 =	vadd.s32 $0x64, v16;
	v3 =	vshra.s32 v19, $0xA;
	v19 =	vand.u32 $0x3FF, v19;
	v16 =	vld [tilespmem:$0x1A0]  }
0x9c: {  	v20 =	vshra.s32 v22, $0xA;
	v22 =	vand.u32 $0x3FF, v22;
	[tilespmem:$0x320] =	vst v3;
	v19 =	vadd.s32 $0x64, v19;
	v3 =	vld [tilespmem:$0x1B0]  }
.LBB2_2:
0x9d: {  	[tilespmem:$0x450] =	vst v15  }
0x9e: {  	[tilespmem:$0x510] =	vst v21  }
0x9f: {  	[tilespmem:$0x300] =	vst v20  }
0xa0: {  	v62 =	vshra.s32 v17, $0xA;
	[tilespmem:$0x520] =	vst v19  }
0xa1: {  	v13 =	vshra.s32 v13, $0xA;
	[tilespmem:$0x2F0] =	vst v62  }
0xa2: {  	v21 =	vshra.s32 v18, $0xA;
	[tilespmem:$0x260] =	vst v13  }
0xa3: {  	v26 =	vadd.s32 $0x64, v22;
	[tilespmem:$0x2E0] =	vst v21  }
0xa4: {  	v27 =	vand.u32 $0x3FF, v4;
	v32 =	vshra.s32 v4, $0xA;
	[tilespmem:$0x500] =	vst v26  }
0xa5: {  	v14 =	vcvt.f32.s32 v14;
	v31 =	vand.u32 $0x3FF, v18;
	v29 =	vadd.s32 $0x64, v27;
	[tilespmem:$0x230] =	vst v32  }
0xa6: {  	v7 =	vtrunc.f32 v7;
	v11 =	vcvt.f32.s32 v11;
	v37 =	vadd.s32 $0x64, v31;
	[tilespmem:$0x430] =	vst v29  }
0xa7: {  	v6 =	vtrunc.f32 v6;
	v7 =	vcvt.f32.s32 v7;
	v20 =	vshra.s32 v14, $0xA;
	[tilespmem:$0x4E0] =	vst v37  }
0xa8: {  	v6 =	vcvt.f32.s32 v6;
	v25 =	vshra.s32 v11, $0xA;
	[tilespmem:$0x2D0] =	vst v20  }
0xa9: {  	v9 =	vtrunc.f32 v9;
	v23 =	vshra.s32 v7, $0xA;
	[tilespmem:$0x280] =	vst v25  }
0xaa: {  	v9 =	vcvt.f32.s32 v9;
	v11 =	vand.u32 $0x3FF, v11;
	v24 =	vshra.s32 v6, $0xA;
	[tilespmem:$0x2B0] =	vst v23  }
0xab: {  	v10 =	vtrunc.f32 v10;
	v5 =	vtrunc.f32 v5;
	v11 =	vadd.s32 $0x64, v11;
	[tilespmem:$0x2A0] =	vst v24  }
0xac: {  	v35 =	vcvt.f32.s32 v10;
	v33 =	vand.u32 $0x3FF, v14;
	v30 =	vshra.s32 v9, $0xA;
	[tilespmem:$0x480] =	vst v11  }
0xad: {  	v2 =	vtrunc.f32 v2;
	v5 =	vcvt.f32.s32 v5;
	v34 =	vadd.s32 $0x64, v33;
	[tilespmem:$0x330] =	vst v30  }
0xae: {  	v0 =	vtrunc.f32 v0;
	v2 =	vcvt.f32.s32 v2;
	v39 =	vshra.s32 v35, $0xA;
	[tilespmem:$0x4D0] =	vst v34  }
0xaf: {  	v1 =	vtrunc.f32 v1;
	v0 =	vcvt.f32.s32 v0;
	v44 =	vshra.s32 v5, $0xA;
	[tilespmem:$0x360] =	vst v39  }
0xb0: {  	v57 =	vcvt.f32.s32 v1;
	v47 =	vshra.s32 v2, $0xA;
	[tilespmem:$0x350] =	vst v44  }
0xb1: {  	v49 =	vshra.s32 v0, $0xA;
	[tilespmem:$0x340] =	vst v47  }
0xb2: {  	v6 =	vand.u32 $0x3FF, v6;
	v60 =	vshra.s32 v57, $0xA;
	[tilespmem:$0x270] =	vst v49  }
0xb3: {  	v7 =	vand.u32 $0x3FF, v7;
	v6 =	vadd.s32 $0x64, v6;
	[tilespmem:$0x370] =	vst v60  }
0xb4: {  	v9 =	vand.u32 $0x3FF, v9;
	v7 =	vadd.s32 $0x64, v7;
	[tilespmem:$0x4A0] =	vst v6  }
0xb5: {  	v63 =	vld [tilespmem:$0x90];
	v36 =	vtrunc.f32 v12;
	v2 =	vand.u32 $0x3FF, v2;
	v38 =	vadd.s32 $0x64, v9;
	[tilespmem:$0x4B0] =	vst v7  }
0xb6: {  	v45 =	vld [tilespmem:$0x1E0];
	v8 =	vtrunc.f32 v8;
	v5 =	vand.u32 $0x3FF, v5;
	v2 =	vadd.s32 $0x64, v2;
	[tilespmem:$0x530] =	vst v38  }
0xb7: {  	v8 =	vcvt.f32.s32 v8;
	v0 =	vand.u32 $0x3FF, v0;
	v5 =	vadd.s32 $0x64, v5;
	[tilespmem:$0x540] =	vst v2  }
0xb8: {  	v48 =	vld [tilespmem:$0x1D0];
	v10 =	vcvt.f32.s32 v36;
	v0 =	vadd.s32 $0x64, v0;
	[tilespmem:$0x550] =	vst v5  }
0xb9: {  	v41 =	vld [tilespmem:$0x1C0];
	v42 =	vshra.s32 v8, $0xA;
	[tilespmem:$0x470] =	vst v0  }
0xba: {  	v13 =	vtrunc.f32 v63;
	v40 =	vand.u32 $0x3FF, v10;
	v55 =	vshra.s32 v10, $0xA;
	[tilespmem:$0x380] =	vst v42  }
0xbb: {  	v8 =	vand.u32 $0x3FF, v8;
	v9 =	vtrunc.f32 v45;
	v7 =	vadd.s32 $0x64, v40;
	[tilespmem:$0x390] =	vst v55  }
0xbc: {  	v0 =	vand.u32 $0x3FF, v57;
	v13 =	vcvt.f32.s32 v13;
	v8 =	vadd.s32 $0x64, v8;
	[tilespmem:$0x590] =	vst v7  }
0xbd: {  	v52 =	vtrunc.f32 v48;
	v9 =	vcvt.f32.s32 v9;
	v0 =	vadd.s32 $0x64, v0;
	[tilespmem:$0x580] =	vst v8  }
0xbe: {  	v4 =	vtrunc.f32 v41;
	v5 =	vcvt.f32.s32 v52;
	[tilespmem:$0x570] =	vst v0;
	v28 =	vshra.s32 v13, $0xA  }
0xbf: {  	v43 =	vtrunc.f32 v16;
	v4 =	vcvt.f32.s32 v4;
	v53 =	vshra.s32 v9, $0xA;
	[tilespmem:$0x290] =	vst v28  }
0xc0: {  	v7 =	vcvt.f32.s32 v43;
	v54 =	vshra.s32 v5, $0xA;
	[tilespmem:$0x3E0] =	vst v53  }
0xc1: {  	v46 =	vand.u32 $0x3FF, v13;
	v51 =	vand.u32 $0x3FF, v4;
	v4 =	vshra.s32 v4, $0xA;
	[tilespmem:$0x3D0] =	vst v54  }
0xc2: {  	v12 =	vadd.s32 $0x64, v46;
	[tilespmem:$0x3C0] =	vst v4  }
0xc3: {  	v50 =	vshra.s32 v7, $0xA;
	[tilespmem:$0x490] =	vst v12  }
0xc4: {  	v5 =	vand.u32 $0x3FF, v5;
	v2 =	vadd.s32 $0x64, v51;
	[tilespmem:$0x3A0] =	vst v50  }
0xc5: {  	v56 =	vand.u32 $0x3FF, v9;
	v5 =	vadd.s32 $0x64, v5;
	[tilespmem:$0x5C0] =	vst v2  }
0xc6: {  	v59 =	vtrunc.f32 v3;
	v58 =	vand.u32 $0x3FF, v7;
	v2 =	vadd.s32 $0x64, v56;
	[tilespmem:$0x5D0] =	vst v5  }
0xc7: {  	v61 =	vand.u32 $0x3FF, v35;
	v1 =	vadd.s32 $0x64, v58;
	[tilespmem:$0x5E0] =	vst v2;
	v2 =	vcvt.f32.s32 v59  }
0xc8: {  	[tilespmem:$0x5A0] =	vst v1;
	v1 =	vadd.s32 $0x64, v61  }
0xc9: {  	[tilespmem:$0x560] =	vst v1;
	v62 =	vand.u32 $0x3FF, v2;
	v2 =	vshra.s32 v2, $0xA  }
0xca: {  	v63 =	vadd.s32 $0x64, v62;
	[tilespmem:$0x3B0] =	vst v2  }
0xcb: {  	[tilespmem:$0x5B0] =	vst v63  }
0xcc: {  	[bflag:$0x0] =	sbarrier.arrive $0xFFFF  }
0xcd: {  	[tilespmem:s5], [sflag:$0x1] =	stream.indirect.gather [spmem:s2], $0x20, s6, s6, $0xb8;
	[tilespmem:$0x8E58] =	vst v63  }
0xce: {  	_ = 	snop  }
0xcf: {  	[tilespmem:s9], [sflag:$0x1] =	stream.indirect.gather [spmem:s2], $0x20, s8, s6, $0xb8;
	[tilespmem:$0x8E58] =	vst v63  }
0xd0: {  	_ =	swait.ge [sflag:s3], $0x4000  }
0xd1: {  	[sflag:s3] =	ssyncset.done $0x0  }
0xd2: {  	[sflag:s3] =	ssyncadd.s32 $0xFFFFC000  }
0xd3: {  	_ =	swait.ge [sflag:s3], $0x4000  }
0xd4: {  	[sflag:s3] =	ssyncset.done $0x0  }
0xd5: {  	[sflag:s3] =	ssyncadd.s32 $0xFFFFC000  }
0xd6: {  	[hbm4b:s7+s1] =	stream.linear.scatter [tilespmem:s5], [sflag:$0x1], $0x4000, $0x38;
	[tilespmem:$0x8E58] =	vst v63  }
0xd7: {  	_ = 	snop  }
0xd8: {  	[hbm4b:s4+s1] =	stream.linear.scatter [tilespmem:s9], [sflag:$0x1], $0x4000, $0x38;
	[tilespmem:$0x8E58] =	vst v63  }
0xd9: {  	_ =	swait.ge [sflag:s3], $0x4000  }
0xda: {  	[sflag:s3] =	ssyncset.done $0x0  }
0xdb: {  	[sflag:s3] =	ssyncadd.s32 $0xFFFFC000  }
0xdc: {  	_ =	swait.ge [sflag:s3], $0x4000  }
0xdd: {  	[sflag:s3] =	ssyncset.done $0x0  }
0xde: {  	[sflag:s3] =	ssyncadd.s32 $0xFFFFC000  }
0xdf: {  	_ =	sfence.sel $0x180000  }
0xe0: {  	[bflag:$0x0] =	sbarrier.arrive $0xFFFF  }
0xe1: {  	_ =	strace $0x90000047  }
0xe2: {  	s0 =	sadd.s32 @!p0 $0x100000, s0;
	[bflag:$0x2] =	sbarrier.arrive $0xFFFF  }
0xe3: {  	[sflag:s0] =	ssyncadd.tile.s32 @!p0 $0x1;
	_ =	shalt  }
.Lfunc_end2:
_tile_overlayer_lowered:
.L_overlay_start_2:
0xe4: {  	(tag) =	ssettag $0x2  }
0xe5: {  	s0 =	rddreg [dreg:$0x0];
	s2 =	stileid.u32  }
0xe6: {  	s1 =	rddreg [dreg:$0x1];
	p0 =	sne.s32 s2, $0x0  }
0xe7: {  	s3 =	rddreg [dreg:$0x2];
	[bflag:$0x3] =	sbarrier.arrive $0xFFFF;
	s2 =	simm.s32 @!p0 $0x1C02  }
0xe8: {  	[timem:s3], [sflag:s2] =	dma.local @!p0 [hbm:s0], s1  }
0xe9: {  	s0 =	simm.s32 @!p0 $0x2  }
0xea: {  	_ =	swait.ge @!p0 [sflag:s0], s1  }
0xeb: {  	s1 =	ssub.s32 @!p0 $0x0, s1;
	[sflag:s0] =	ssyncset.done @!p0 $0x0  }
0xec: {  	[sflag:s0] =	ssyncadd.s32 @!p0 s1  }
0xed: {  	[bflag:$0x3] =	sbarrier.arrive $0xFFFF  }
0xee: {  	_ =	shalt  }

</sc_bundles>
